<compile_context>
chip_gen: v7x
topology: tpu7x:2x2x1
jax: 0.10.2.dev20260603
libtpu: 0.0.44.dev20260713+nightly
codegen_flags: <defaults>
</compile_context>

<pallas_src>
import functools

import jax
import jax.numpy as jnp
from jax import lax
from jax.experimental import pallas as pl
from jax.experimental.pallas import tpu as pltpu
from jax.experimental.pallas import tpu_sc as plsc

N = 5000
G = 100
C = 80
NC, NS, L = 1, 16, 16
NW = NC * NS
RPW = 320
BASE_LAST = N - RPW
NGRP = RPW // L


def _sc_body(lab_hbm, idx_hbm, out_hbm, idx_v, lab_v, out_v, sem):
    wid = lax.axis_index("s") * NC + lax.axis_index("c")
    base = jnp.minimum(wid * RPW, BASE_LAST)

    copies = [
        pltpu.async_copy(idx_hbm.at[pl.ds(base, RPW)], idx_v, sem),
        pltpu.async_copy(lab_hbm, lab_v, sem),
    ]
    for cp in copies:
        cp.wait()

    for g in range(NGRP):
        g0 = g * L
        idx16 = idx_v[pl.ds(g0, L)]
        out_v[pl.ds(g0, L)] = plsc.load_gather(lab_v, [idx16])

    pltpu.async_copy(out_v, out_hbm.at[pl.ds(base, RPW)], sem).wait()


_sc_call = functools.partial(
    pl.kernel,
    mesh=plsc.VectorSubcoreMesh(core_axis_name="c", subcore_axis_name="s", num_cores=1),
    out_type=jax.ShapeDtypeStruct((N,), jnp.int32),
    scratch_types=[
        pltpu.VMEM((RPW,), jnp.int32),
        pltpu.VMEM((G,), jnp.int32),
        pltpu.VMEM((RPW,), jnp.int32),
        pltpu.SemaphoreType.DMA,
    ],
    compiler_params=pltpu.CompilerParams(needs_layout_passes=False, skip_device_barrier=True),
)(_sc_body)


def _tc_body(detT_ref, xywhT_ref, lab_ref, idx_ref, z_ref, r_ref, out_ref):
    detT = detT_ref[...]
    labs = lab_ref[...]
    row = lax.broadcasted_iota(jnp.int32, (5 + C, N), 0)
    masked = jnp.where((row < 5) | (row == labs[None, :] + 5), 0.0, detT)
    mx = jnp.max(masked, axis=0)
    lm = jnp.log(mx)
    s_cls = jnp.sum((z_ref[...] + r_ref[...]) * lm)

    gsel = lax.broadcasted_iota(jnp.int32, (G, N), 0)
    onehot = (gsel == idx_ref[...][None, :]).astype(jnp.float32)
    gbox = jnp.dot(xywhT_ref[...], onehot,
                   preferred_element_type=jnp.float32)
    diff = detT_ref[0:4, :] - gbox
    s_box = jnp.sum(z_ref[...][None, :] * diff * diff)

    out_ref[0, 0] = jnp.exp(-s_box) - s_cls


_tc_call = pl.pallas_call(
    _tc_body,
    out_shape=jax.ShapeDtypeStruct((1, 1), jnp.float32),
    out_specs=pl.BlockSpec(memory_space=pltpu.SMEM),
)


@jax.jit
def kernel(detections, gt_xywh, gt_class_labels, gt_nearest_idx, z, r):
    labels = _sc_call(gt_class_labels, gt_nearest_idx)
    loss = _tc_call(detections.T, gt_xywh.T, labels, gt_nearest_idx, z, r)
    return loss.reshape(1)

# --- scband reference (transcript-rebuilt; emitter-appended) ---
"""Pipeline reference for scband-test-non-object-loss-19963007991832 (READ-ONLY COPY).

The authoritative reference and input builder live on the scoring server;
editing this copy changes nothing except your own understanding.
"""

import jax, jax.numpy as jnp
import numpy as np


def setup_inputs(seed: int = 0) -> dict:
    key = jax.random.key(seed)
    k1, k2, k3, k4, k5, k6 = jax.random.split(key, 6)
    N, G, C = 5000, 100, 80
    detections = jax.random.uniform(k1, (N, 5 + C), dtype=jnp.float32)
    gt_xywh = jax.random.uniform(k2, (G, 4), dtype=jnp.float32)
    gt_class_labels = jax.random.randint(k3, (G,), 0, C).astype(jnp.int32)
    gt_nearest_idx = jax.random.randint(k4, (N,), 0, G).astype(jnp.int32)
    z = jax.random.uniform(k5, (N,), dtype=jnp.float32)
    r = jax.random.uniform(k6, (N,), dtype=jnp.float32)
    return {
        "detections": detections,
        "gt_xywh": gt_xywh,
        "gt_class_labels": gt_class_labels,
        "gt_nearest_idx": gt_nearest_idx,
        "z": z,
        "r": r,
    }


def reference(detections, gt_xywh, gt_class_labels, gt_nearest_idx, z, r):
    # labels of the nearest ground truth for each detection (gather)
    gt_labels_for_nearest_dt = jnp.take(gt_class_labels, gt_nearest_idx, axis=0)
    N = detections.shape[0]

    # class scores are detached in the original torch code
    scores = jax.lax.stop_gradient(detections[:, 5:])
    # zero out the column corresponding to the nearest-gt class (scatter-overwrite)
    scores = scores.at[jnp.arange(N), gt_labels_for_nearest_dt].set(0.0)
    log_max = jnp.log(jnp.max(scores, axis=1))

    # True Positive Class loss: -(sum_i z_i * log(max_j scores_ij))
    tpc_score = -jnp.sum(z * log_max)

    # True Positive Shape loss: exp(-sum_i z_i * ||box_i - gt_box_near_i||^2)
    dist = (detections[:, :4] - jnp.take(gt_xywh, gt_nearest_idx, axis=0)) ** 2
    tps_score = jnp.exp(-1.0 * jnp.sum(z * jnp.sum(dist, axis=1)))

    # False Positive Class loss: -(sum_i r_i * log(max_j scores_ij))
    fpc_score = -jnp.sum(r * log_max)

    loss = tpc_score + tps_score + fpc_score
    return jnp.reshape(loss, (1,))

if __name__ == "__main__":
    import jax
    _d = setup_inputs()
    print(jax.jit(kernel)(*tuple(_d.values())))

</pallas_src>

<mosaic_0001>
#map = affine_map<(d0, d1) -> (0)>
module attributes {stable_mosaic.version = 14 : i64} {
  func.func @_sc_body(%arg0: i32, %arg1: i32, %arg2: memref<100xi32, #tpu.memory_space<hbm>>, %arg3: memref<5000xi32, #tpu.memory_space<hbm>>, %arg4: memref<5000xi32, #tpu.memory_space<hbm>>, %arg5: memref<320xi32, #tpu.memory_space<vmem>>, %arg6: memref<100xi32, #tpu.memory_space<vmem>>, %arg7: memref<320xi32, #tpu.memory_space<vmem>>, %arg8: memref<!tpu.dma_semaphore, #tpu.memory_space<semaphore_mem>>) attributes {dimension_semantics = [#tpu.dimension_semantics<core_parallel>, #tpu.dimension_semantics<subcore_parallel>], iteration_bounds = array<i64: 1, 16>, scalar_prefetch = 0 : i64, scratch_operands = 4 : i64, tpu.core_type = #tpu.core_type<sc_vector_subcore>, window_params = [{transform_indices = #map}, {transform_indices = #map}, {transform_indices = #map}]} {
    %mul3A = arith.constant 1 : i32
    %mul3A_0 = arith.muli %arg1, %mul3A : i32
    %add3A = arith.addi %mul3A_0, %arg0 : i32
    %mul3A_1 = arith.constant 320 : i32
    %mul3A_2 = arith.muli %add3A, %mul3A_1 : i32
    %min3A = arith.constant 4680 : i32
    %min3A_3 = arith.minsi %mul3A_2, %min3A : i32
    %dma_start3A = tpu.memref_slice %arg3[%min3A_3] : memref<5000xi32, #tpu.memory_space<hbm>> -> memref<320xi32, #tpu.memory_space<hbm>>
    %dma_start3A_4 = tpu.memref_slice %arg3[%min3A_3] : memref<5000xi32, #tpu.memory_space<hbm>> -> memref<320xi32, #tpu.memory_space<hbm>>
    tpu.enqueue_dma source(%dma_start3A_4 : memref<320xi32, #tpu.memory_space<hbm>>) target(%arg5 : memref<320xi32, #tpu.memory_space<vmem>>) target_semaphore(%arg8 : memref<!tpu.dma_semaphore, #tpu.memory_space<semaphore_mem>>)
    tpu.enqueue_dma source(%arg2 : memref<100xi32, #tpu.memory_space<hbm>>) target(%arg6 : memref<100xi32, #tpu.memory_space<vmem>>) target_semaphore(%arg8 : memref<!tpu.dma_semaphore, #tpu.memory_space<semaphore_mem>>)
    %dma_wait3A = tpu.memref_slice %arg3[%min3A_3] : memref<5000xi32, #tpu.memory_space<hbm>> -> memref<320xi32, #tpu.memory_space<hbm>>
    %dma_wait3A_5 = tpu.memref_slice %arg3[%min3A_3] : memref<5000xi32, #tpu.memory_space<hbm>> -> memref<320xi32, #tpu.memory_space<hbm>>
    tpu.wait_dma2 semaphore(%arg8 : memref<!tpu.dma_semaphore, #tpu.memory_space<semaphore_mem>>) src(%dma_wait3A_5 : memref<320xi32, #tpu.memory_space<hbm>>) dst(%arg5 : memref<320xi32, #tpu.memory_space<vmem>>)
    tpu.wait_dma2 semaphore(%arg8 : memref<!tpu.dma_semaphore, #tpu.memory_space<semaphore_mem>>) src(%arg2 : memref<100xi32, #tpu.memory_space<hbm>>) dst(%arg6 : memref<100xi32, #tpu.memory_space<vmem>>)
    %get3A = arith.constant 0 : index
    %get3A_6 = tpu.vector_load %arg5[%get3A] {strides = array<i32>} : memref<320xi32, #tpu.memory_space<vmem>>, vector<16xi32>,
    %gather3A = tpu.vector_load_idx %arg6[%get3A_6] : memref<100xi32, #tpu.memory_space<vmem>>[vector<16xi32>], vector<16xi32>,
    %swap3A = arith.constant 0 : index
    %swap3A_7 = tpu.vector_load %arg7[%swap3A] {strides = array<i32>} : memref<320xi32, #tpu.memory_space<vmem>>, vector<16xi32>,
    tpu.vector_store %arg7[%swap3A], %gather3A {strides = array<i32>} : memref<320xi32, #tpu.memory_space<vmem>>, vector<16xi32>,
    %get3A_8 = arith.constant 16 : index
    %get3A_9 = tpu.vector_load %arg5[%get3A_8] {strides = array<i32>} : memref<320xi32, #tpu.memory_space<vmem>>, vector<16xi32>,
    %gather3A_10 = tpu.vector_load_idx %arg6[%get3A_9] : memref<100xi32, #tpu.memory_space<vmem>>[vector<16xi32>], vector<16xi32>,
    %swap3A_11 = arith.constant 16 : index
    %swap3A_12 = tpu.vector_load %arg7[%swap3A_11] {strides = array<i32>} : memref<320xi32, #tpu.memory_space<vmem>>, vector<16xi32>,
    tpu.vector_store %arg7[%swap3A_11], %gather3A_10 {strides = array<i32>} : memref<320xi32, #tpu.memory_space<vmem>>, vector<16xi32>,
    %get3A_13 = arith.constant 32 : index
    %get3A_14 = tpu.vector_load %arg5[%get3A_13] {strides = array<i32>} : memref<320xi32, #tpu.memory_space<vmem>>, vector<16xi32>,
    %gather3A_15 = tpu.vector_load_idx %arg6[%get3A_14] : memref<100xi32, #tpu.memory_space<vmem>>[vector<16xi32>], vector<16xi32>,
    %swap3A_16 = arith.constant 32 : index
    %swap3A_17 = tpu.vector_load %arg7[%swap3A_16] {strides = array<i32>} : memref<320xi32, #tpu.memory_space<vmem>>, vector<16xi32>,
    tpu.vector_store %arg7[%swap3A_16], %gather3A_15 {strides = array<i32>} : memref<320xi32, #tpu.memory_space<vmem>>, vector<16xi32>,
    %get3A_18 = arith.constant 48 : index
    %get3A_19 = tpu.vector_load %arg5[%get3A_18] {strides = array<i32>} : memref<320xi32, #tpu.memory_space<vmem>>, vector<16xi32>,
    %gather3A_20 = tpu.vector_load_idx %arg6[%get3A_19] : memref<100xi32, #tpu.memory_space<vmem>>[vector<16xi32>], vector<16xi32>,
    %swap3A_21 = arith.constant 48 : index
    %swap3A_22 = tpu.vector_load %arg7[%swap3A_21] {strides = array<i32>} : memref<320xi32, #tpu.memory_space<vmem>>, vector<16xi32>,
    tpu.vector_store %arg7[%swap3A_21], %gather3A_20 {strides = array<i32>} : memref<320xi32, #tpu.memory_space<vmem>>, vector<16xi32>,
    %get3A_23 = arith.constant 64 : index
    %get3A_24 = tpu.vector_load %arg5[%get3A_23] {strides = array<i32>} : memref<320xi32, #tpu.memory_space<vmem>>, vector<16xi32>,
    %gather3A_25 = tpu.vector_load_idx %arg6[%get3A_24] : memref<100xi32, #tpu.memory_space<vmem>>[vector<16xi32>], vector<16xi32>,
    %swap3A_26 = arith.constant 64 : index
    %swap3A_27 = tpu.vector_load %arg7[%swap3A_26] {strides = array<i32>} : memref<320xi32, #tpu.memory_space<vmem>>, vector<16xi32>,
    tpu.vector_store %arg7[%swap3A_26], %gather3A_25 {strides = array<i32>} : memref<320xi32, #tpu.memory_space<vmem>>, vector<16xi32>,
    %get3A_28 = arith.constant 80 : index
    %get3A_29 = tpu.vector_load %arg5[%get3A_28] {strides = array<i32>} : memref<320xi32, #tpu.memory_space<vmem>>, vector<16xi32>,
    %gather3A_30 = tpu.vector_load_idx %arg6[%get3A_29] : memref<100xi32, #tpu.memory_space<vmem>>[vector<16xi32>], vector<16xi32>,
    %swap3A_31 = arith.constant 80 : index
    %swap3A_32 = tpu.vector_load %arg7[%swap3A_31] {strides = array<i32>} : memref<320xi32, #tpu.memory_space<vmem>>, vector<16xi32>,
    tpu.vector_store %arg7[%swap3A_31], %gather3A_30 {strides = array<i32>} : memref<320xi32, #tpu.memory_space<vmem>>, vector<16xi32>,
    %get3A_33 = arith.constant 96 : index
    %get3A_34 = tpu.vector_load %arg5[%get3A_33] {strides = array<i32>} : memref<320xi32, #tpu.memory_space<vmem>>, vector<16xi32>,
    %gather3A_35 = tpu.vector_load_idx %arg6[%get3A_34] : memref<100xi32, #tpu.memory_space<vmem>>[vector<16xi32>], vector<16xi32>,
    %swap3A_36 = arith.constant 96 : index
    %swap3A_37 = tpu.vector_load %arg7[%swap3A_36] {strides = array<i32>} : memref<320xi32, #tpu.memory_space<vmem>>, vector<16xi32>,
    tpu.vector_store %arg7[%swap3A_36], %gather3A_35 {strides = array<i32>} : memref<320xi32, #tpu.memory_space<vmem>>, vector<16xi32>,
    %get3A_38 = arith.constant 112 : index
    %get3A_39 = tpu.vector_load %arg5[%get3A_38] {strides = array<i32>} : memref<320xi32, #tpu.memory_space<vmem>>, vector<16xi32>,
    %gather3A_40 = tpu.vector_load_idx %arg6[%get3A_39] : memref<100xi32, #tpu.memory_space<vmem>>[vector<16xi32>], vector<16xi32>,
    %swap3A_41 = arith.constant 112 : index
    %swap3A_42 = tpu.vector_load %arg7[%swap3A_41] {strides = array<i32>} : memref<320xi32, #tpu.memory_space<vmem>>, vector<16xi32>,
    tpu.vector_store %arg7[%swap3A_41], %gather3A_40 {strides = array<i32>} : memref<320xi32, #tpu.memory_space<vmem>>, vector<16xi32>,
    %get3A_43 = arith.constant 128 : index
    %get3A_44 = tpu.vector_load %arg5[%get3A_43] {strides = array<i32>} : memref<320xi32, #tpu.memory_space<vmem>>, vector<16xi32>,
    %gather3A_45 = tpu.vector_load_idx %arg6[%get3A_44] : memref<100xi32, #tpu.memory_space<vmem>>[vector<16xi32>], vector<16xi32>,
    %swap3A_46 = arith.constant 128 : index
    %swap3A_47 = tpu.vector_load %arg7[%swap3A_46] {strides = array<i32>} : memref<320xi32, #tpu.memory_space<vmem>>, vector<16xi32>,
    tpu.vector_store %arg7[%swap3A_46], %gather3A_45 {strides = array<i32>} : memref<320xi32, #tpu.memory_space<vmem>>, vector<16xi32>,
    %get3A_48 = arith.constant 144 : index
    %get3A_49 = tpu.vector_load %arg5[%get3A_48] {strides = array<i32>} : memref<320xi32, #tpu.memory_space<vmem>>, vector<16xi32>,
    %gather3A_50 = tpu.vector_load_idx %arg6[%get3A_49] : memref<100xi32, #tpu.memory_space<vmem>>[vector<16xi32>], vector<16xi32>,
    %swap3A_51 = arith.constant 144 : index
    %swap3A_52 = tpu.vector_load %arg7[%swap3A_51] {strides = array<i32>} : memref<320xi32, #tpu.memory_space<vmem>>, vector<16xi32>,
    tpu.vector_store %arg7[%swap3A_51], %gather3A_50 {strides = array<i32>} : memref<320xi32, #tpu.memory_space<vmem>>, vector<16xi32>,
    %get3A_53 = arith.constant 160 : index
    %get3A_54 = tpu.vector_load %arg5[%get3A_53] {strides = array<i32>} : memref<320xi32, #tpu.memory_space<vmem>>, vector<16xi32>,
    %gather3A_55 = tpu.vector_load_idx %arg6[%get3A_54] : memref<100xi32, #tpu.memory_space<vmem>>[vector<16xi32>], vector<16xi32>,
    %swap3A_56 = arith.constant 160 : index
    %swap3A_57 = tpu.vector_load %arg7[%swap3A_56] {strides = array<i32>} : memref<320xi32, #tpu.memory_space<vmem>>, vector<16xi32>,
    tpu.vector_store %arg7[%swap3A_56], %gather3A_55 {strides = array<i32>} : memref<320xi32, #tpu.memory_space<vmem>>, vector<16xi32>,
    %get3A_58 = arith.constant 176 : index
    %get3A_59 = tpu.vector_load %arg5[%get3A_58] {strides = array<i32>} : memref<320xi32, #tpu.memory_space<vmem>>, vector<16xi32>,
    %gather3A_60 = tpu.vector_load_idx %arg6[%get3A_59] : memref<100xi32, #tpu.memory_space<vmem>>[vector<16xi32>], vector<16xi32>,
    %swap3A_61 = arith.constant 176 : index
    %swap3A_62 = tpu.vector_load %arg7[%swap3A_61] {strides = array<i32>} : memref<320xi32, #tpu.memory_space<vmem>>, vector<16xi32>,
    tpu.vector_store %arg7[%swap3A_61], %gather3A_60 {strides = array<i32>} : memref<320xi32, #tpu.memory_space<vmem>>, vector<16xi32>,
    %get3A_63 = arith.constant 192 : index
    %get3A_64 = tpu.vector_load %arg5[%get3A_63] {strides = array<i32>} : memref<320xi32, #tpu.memory_space<vmem>>, vector<16xi32>,
    %gather3A_65 = tpu.vector_load_idx %arg6[%get3A_64] : memref<100xi32, #tpu.memory_space<vmem>>[vector<16xi32>], vector<16xi32>,
    %swap3A_66 = arith.constant 192 : index
    %swap3A_67 = tpu.vector_load %arg7[%swap3A_66] {strides = array<i32>} : memref<320xi32, #tpu.memory_space<vmem>>, vector<16xi32>,
    tpu.vector_store %arg7[%swap3A_66], %gather3A_65 {strides = array<i32>} : memref<320xi32, #tpu.memory_space<vmem>>, vector<16xi32>,
    %get3A_68 = arith.constant 208 : index
    %get3A_69 = tpu.vector_load %arg5[%get3A_68] {strides = array<i32>} : memref<320xi32, #tpu.memory_space<vmem>>, vector<16xi32>,
    %gather3A_70 = tpu.vector_load_idx %arg6[%get3A_69] : memref<100xi32, #tpu.memory_space<vmem>>[vector<16xi32>], vector<16xi32>,
    %swap3A_71 = arith.constant 208 : index
    %swap3A_72 = tpu.vector_load %arg7[%swap3A_71] {strides = array<i32>} : memref<320xi32, #tpu.memory_space<vmem>>, vector<16xi32>,
    tpu.vector_store %arg7[%swap3A_71], %gather3A_70 {strides = array<i32>} : memref<320xi32, #tpu.memory_space<vmem>>, vector<16xi32>,
    %get3A_73 = arith.constant 224 : index
    %get3A_74 = tpu.vector_load %arg5[%get3A_73] {strides = array<i32>} : memref<320xi32, #tpu.memory_space<vmem>>, vector<16xi32>,
    %gather3A_75 = tpu.vector_load_idx %arg6[%get3A_74] : memref<100xi32, #tpu.memory_space<vmem>>[vector<16xi32>], vector<16xi32>,
    %swap3A_76 = arith.constant 224 : index
    %swap3A_77 = tpu.vector_load %arg7[%swap3A_76] {strides = array<i32>} : memref<320xi32, #tpu.memory_space<vmem>>, vector<16xi32>,
    tpu.vector_store %arg7[%swap3A_76], %gather3A_75 {strides = array<i32>} : memref<320xi32, #tpu.memory_space<vmem>>, vector<16xi32>,
    %get3A_78 = arith.constant 240 : index
    %get3A_79 = tpu.vector_load %arg5[%get3A_78] {strides = array<i32>} : memref<320xi32, #tpu.memory_space<vmem>>, vector<16xi32>,
    %gather3A_80 = tpu.vector_load_idx %arg6[%get3A_79] : memref<100xi32, #tpu.memory_space<vmem>>[vector<16xi32>], vector<16xi32>,
    %swap3A_81 = arith.constant 240 : index
    %swap3A_82 = tpu.vector_load %arg7[%swap3A_81] {strides = array<i32>} : memref<320xi32, #tpu.memory_space<vmem>>, vector<16xi32>,
    tpu.vector_store %arg7[%swap3A_81], %gather3A_80 {strides = array<i32>} : memref<320xi32, #tpu.memory_space<vmem>>, vector<16xi32>,
    %get3A_83 = arith.constant 256 : index
    %get3A_84 = tpu.vector_load %arg5[%get3A_83] {strides = array<i32>} : memref<320xi32, #tpu.memory_space<vmem>>, vector<16xi32>,
    %gather3A_85 = tpu.vector_load_idx %arg6[%get3A_84] : memref<100xi32, #tpu.memory_space<vmem>>[vector<16xi32>], vector<16xi32>,
    %swap3A_86 = arith.constant 256 : index
    %swap3A_87 = tpu.vector_load %arg7[%swap3A_86] {strides = array<i32>} : memref<320xi32, #tpu.memory_space<vmem>>, vector<16xi32>,
    tpu.vector_store %arg7[%swap3A_86], %gather3A_85 {strides = array<i32>} : memref<320xi32, #tpu.memory_space<vmem>>, vector<16xi32>,
    %get3A_88 = arith.constant 272 : index
    %get3A_89 = tpu.vector_load %arg5[%get3A_88] {strides = array<i32>} : memref<320xi32, #tpu.memory_space<vmem>>, vector<16xi32>,
    %gather3A_90 = tpu.vector_load_idx %arg6[%get3A_89] : memref<100xi32, #tpu.memory_space<vmem>>[vector<16xi32>], vector<16xi32>,
    %swap3A_91 = arith.constant 272 : index
    %swap3A_92 = tpu.vector_load %arg7[%swap3A_91] {strides = array<i32>} : memref<320xi32, #tpu.memory_space<vmem>>, vector<16xi32>,
    tpu.vector_store %arg7[%swap3A_91], %gather3A_90 {strides = array<i32>} : memref<320xi32, #tpu.memory_space<vmem>>, vector<16xi32>,
    %get3A_93 = arith.constant 288 : index
    %get3A_94 = tpu.vector_load %arg5[%get3A_93] {strides = array<i32>} : memref<320xi32, #tpu.memory_space<vmem>>, vector<16xi32>,
    %gather3A_95 = tpu.vector_load_idx %arg6[%get3A_94] : memref<100xi32, #tpu.memory_space<vmem>>[vector<16xi32>], vector<16xi32>,
    %swap3A_96 = arith.constant 288 : index
    %swap3A_97 = tpu.vector_load %arg7[%swap3A_96] {strides = array<i32>} : memref<320xi32, #tpu.memory_space<vmem>>, vector<16xi32>,
    tpu.vector_store %arg7[%swap3A_96], %gather3A_95 {strides = array<i32>} : memref<320xi32, #tpu.memory_space<vmem>>, vector<16xi32>,
    %get3A_98 = arith.constant 304 : index
    %get3A_99 = tpu.vector_load %arg5[%get3A_98] {strides = array<i32>} : memref<320xi32, #tpu.memory_space<vmem>>, vector<16xi32>,
    %gather3A_100 = tpu.vector_load_idx %arg6[%get3A_99] : memref<100xi32, #tpu.memory_space<vmem>>[vector<16xi32>], vector<16xi32>,
    %swap3A_101 = arith.constant 304 : index
    %swap3A_102 = tpu.vector_load %arg7[%swap3A_101] {strides = array<i32>} : memref<320xi32, #tpu.memory_space<vmem>>, vector<16xi32>,
    tpu.vector_store %arg7[%swap3A_101], %gather3A_100 {strides = array<i32>} : memref<320xi32, #tpu.memory_space<vmem>>, vector<16xi32>,
    %dma_start3A_103 = tpu.memref_slice %arg4[%min3A_3] : memref<5000xi32, #tpu.memory_space<hbm>> -> memref<320xi32, #tpu.memory_space<hbm>>
    %dma_start3A_104 = tpu.memref_slice %arg4[%min3A_3] : memref<5000xi32, #tpu.memory_space<hbm>> -> memref<320xi32, #tpu.memory_space<hbm>>
    tpu.enqueue_dma source(%arg7 : memref<320xi32, #tpu.memory_space<vmem>>) target(%dma_start3A_104 : memref<320xi32, #tpu.memory_space<hbm>>) target_semaphore(%arg8 : memref<!tpu.dma_semaphore, #tpu.memory_space<semaphore_mem>>)
    %dma_wait3A_105 = tpu.memref_slice %arg4[%min3A_3] : memref<5000xi32, #tpu.memory_space<hbm>> -> memref<320xi32, #tpu.memory_space<hbm>>
    %dma_wait3A_106 = tpu.memref_slice %arg4[%min3A_3] : memref<5000xi32, #tpu.memory_space<hbm>> -> memref<320xi32, #tpu.memory_space<hbm>>
    tpu.wait_dma2 semaphore(%arg8 : memref<!tpu.dma_semaphore, #tpu.memory_space<semaphore_mem>>) src(%arg7 : memref<320xi32, #tpu.memory_space<vmem>>) dst(%dma_wait3A_106 : memref<320xi32, #tpu.memory_space<hbm>>)
    return
  }
}

module attributes {stable_mosaic.version = 14 : i64} {
  func.func @_tc_body(%arg0: memref<85x5000xf32, #tpu.memory_space<vmem>>, %arg1: memref<4x100xf32, #tpu.memory_space<vmem>>, %arg2: memref<5000xi32, #tpu.memory_space<vmem>>, %arg3: memref<5000xi32, #tpu.memory_space<vmem>>, %arg4: memref<5000xf32, #tpu.memory_space<vmem>>, %arg5: memref<5000xf32, #tpu.memory_space<vmem>>, %arg6: memref<1x1xf32, #tpu.memory_space<smem>>) attributes {dimension_semantics = [], scalar_prefetch = 0 : i64, scratch_operands = 0 : i64, tpu.core_type = #tpu.core_type<tc>} {
    %get3A = arith.constant 0 : index
    %get3A_0 = arith.constant 0 : index
    %get3A_1 = vector.load %arg0[%get3A, %get3A_0] : memref<85x5000xf32, #tpu.memory_space<vmem>>, vector<85x5000xf32>
    %get3A_2 = arith.constant 0 : index
    %get3A_3 = vector.load %arg2[%get3A_2] : memref<5000xi32, #tpu.memory_space<vmem>>, vector<5000xi32>
    %iota3A = tpu.iota {dimensions = array<i32: 0>} : vector<85x5000xi32>
    %lt3A = arith.constant 5 : i32
    %lt3A_4 = vector.broadcast %lt3A : i32 to vector<85x5000xi32>
    %lt3A_5 = arith.cmpi slt, %iota3A, %lt3A_4 : vector<85x5000xi32>
    %broadcast_in_dim3A = vector.shape_cast %get3A_3 : vector<5000xi32> to vector<1x5000xi32>
    %add3A = arith.constant 5 : i32
    %add3A_6 = vector.broadcast %add3A : i32 to vector<1x5000xi32>
    %add3A_7 = arith.addi %broadcast_in_dim3A, %add3A_6 : vector<1x5000xi32>
    %eq3A = vector.broadcast %add3A_7 : vector<1x5000xi32> to vector<85x5000xi32>
    %eq3A_8 = arith.cmpi eq, %iota3A, %eq3A : vector<85x5000xi32>
    %or3A = arith.ori %lt3A_5, %eq3A_8 : vector<85x5000xi1>
    %jit3A = arith.constant 0.000000e+00 : f32
    %broadcast_in_dim3A_9 = vector.broadcast %jit3A : f32 to vector<85x5000xf32>
    %select_n3A = arith.select %or3A, %broadcast_in_dim3A_9, %get3A_1 : vector<85x5000xi1>, vector<85x5000xf32>
    %reduce_max3A = arith.constant dense<0xFF800000> : vector<5000xf32>
    %reduce_max3A_10 = vector.multi_reduction <maximumf>, %select_n3A, %reduce_max3A [0] : vector<85x5000xf32> to vector<5000xf32>
    %log3A = math.log %reduce_max3A_10 : vector<5000xf32>
    %get3A_11 = arith.constant 0 : index
    %get3A_12 = vector.load %arg4[%get3A_11] : memref<5000xf32, #tpu.memory_space<vmem>>, vector<5000xf32>
    %get3A_13 = arith.constant 0 : index
    %get3A_14 = vector.load %arg5[%get3A_13] : memref<5000xf32, #tpu.memory_space<vmem>>, vector<5000xf32>
    %add3A_15 = arith.addf %get3A_12, %get3A_14 : vector<5000xf32>
    %mul3A = arith.mulf %add3A_15, %log3A : vector<5000xf32>
    %reduce_sum3A = vector.shape_cast %mul3A : vector<5000xf32> to vector<1x5000xf32>
    %reduce_sum3A_16 = arith.constant dense<0.000000e+00> : vector<1xf32>
    %reduce_sum3A_17 = vector.multi_reduction <add>, %reduce_sum3A, %reduce_sum3A_16 [1] : vector<1x5000xf32> to vector<1xf32>
    %reduce_sum3A_18 = vector.shape_cast %reduce_sum3A_17 : vector<1xf32> to vector<1x1xf32>
    %reduce_sum3A_19 = vector.extract %reduce_sum3A_18[0, 0] : f32 from vector<1x1xf32>
    %iota3A_20 = tpu.iota {dimensions = array<i32: 0>} : vector<100x5000xi32>
    %get3A_21 = arith.constant 0 : index
    %get3A_22 = vector.load %arg3[%get3A_21] : memref<5000xi32, #tpu.memory_space<vmem>>, vector<5000xi32>
    %broadcast_in_dim3A_23 = vector.shape_cast %get3A_22 : vector<5000xi32> to vector<1x5000xi32>
    %eq3A_24 = vector.broadcast %broadcast_in_dim3A_23 : vector<1x5000xi32> to vector<100x5000xi32>
    %eq3A_25 = arith.cmpi eq, %iota3A_20, %eq3A_24 : vector<100x5000xi32>
    %convert_element_type3A = arith.extui %eq3A_25 : vector<100x5000xi1> to vector<100x5000xi32>
    %convert_element_type3A_26 = arith.sitofp %convert_element_type3A : vector<100x5000xi32> to vector<100x5000xf32>
    %get3A_27 = arith.constant 0 : index
    %get3A_28 = arith.constant 0 : index
    %get3A_29 = vector.load %arg1[%get3A_27, %get3A_28] : memref<4x100xf32, #tpu.memory_space<vmem>>, vector<4x100xf32>
    %dot_general3A = arith.constant dense<0.000000e+00> : vector<4x5000xf32>
    %dot_general3A_30 = tpu.matmul %get3A_29, %convert_element_type3A_26, %dot_general3A {dimension_numbers = #tpu.dot_dimension_numbers<[1], [0], [0], [1], [0, 0, 1, 1], [], []>, transpose_lhs_hint = false} : vector<4x100xf32>, vector<100x5000xf32>, vector<4x5000xf32> -> vector<4x5000xf32>
    %get3A_31 = arith.constant 0 : index
    %get3A_32 = arith.constant 0 : index
    %get3A_33 = vector.load %arg0[%get3A_31, %get3A_32] : memref<85x5000xf32, #tpu.memory_space<vmem>>, vector<4x5000xf32>
    %sub3A = arith.subf %get3A_33, %dot_general3A_30 : vector<4x5000xf32>
    %get3A_34 = arith.constant 0 : index
    %get3A_35 = vector.load %arg4[%get3A_34] : memref<5000xf32, #tpu.memory_space<vmem>>, vector<5000xf32>
    %broadcast_in_dim3A_36 = vector.shape_cast %get3A_35 : vector<5000xf32> to vector<1x5000xf32>
    %mul3A_37 = vector.broadcast %broadcast_in_dim3A_36 : vector<1x5000xf32> to vector<4x5000xf32>
    %mul3A_38 = arith.mulf %mul3A_37, %sub3A : vector<4x5000xf32>
    %mul3A_39 = arith.mulf %mul3A_38, %sub3A : vector<4x5000xf32>
    %reduce_sum3A_40 = vector.shape_cast %mul3A_39 : vector<4x5000xf32> to vector<1x4x5000xf32>
    %reduce_sum3A_41 = arith.constant dense<0.000000e+00> : vector<1xf32>
    %reduce_sum3A_42 = vector.multi_reduction <add>, %reduce_sum3A_40, %reduce_sum3A_41 [1, 2] : vector<1x4x5000xf32> to vector<1xf32>
    %reduce_sum3A_43 = vector.shape_cast %reduce_sum3A_42 : vector<1xf32> to vector<1x1x1xf32>
    %reduce_sum3A_44 = vector.extract %reduce_sum3A_43[0, 0, 0] : f32 from vector<1x1x1xf32>
    %neg3A = arith.constant 0.000000e+00 : f32
    %neg3A_45 = arith.subf %neg3A, %reduce_sum3A_44 : f32
    %exp3A = math.exp %neg3A_45 : f32
    %sub3A_46 = arith.subf %exp3A, %reduce_sum3A_19 : f32
    %swap3A = arith.constant 0 : index
    %swap3A_47 = arith.constant 0 : index
    %swap3A_48 = memref.load %arg6[%swap3A, %swap3A_47] : memref<1x1xf32, #tpu.memory_space<smem>>
    memref.store %sub3A_46, %arg6[%swap3A, %swap3A_47] : memref<1x1xf32, #tpu.memory_space<smem>>
    return
  }
}

</mosaic_0001>

<sc_bundles>
// kernel: kernel.4.cloned.1.call-start
scs
__scs_entry_jumppad:
0x0: {  	(pc) =	sbr.rel $0x88, $3  }
0x1: {  	(tag) =	ssettag $0x0;
	lr =	simm.s32 $0x1  }
0x2: {  	[smem:$0x3F9B] =	sst lr;
	_ =	strace $0xD0000000  }
0x3: {  	_ = 	snop  }
0x4: {  	_ = 	snop  }
0x5: {  	_ = 	snop  }
0x6: {  	_ = 	snop  }
0x7: {  	_ = 	snop  }
__scs_overlays_trampoline_lowered:
0x8: {  	[smem:$0x3FAA] =	sst s0  }
0x9: {  	[smem:$0x3FAB] =	sst s1  }
0xa: {  	[smem:$0x3FAC] =	sst s2  }
0xb: {  	[smem:$0x3FAD] =	sst s3  }
0xc: {  	[smem:$0x3FAE] =	sst s4  }
0xd: {  	[smem:$0x3FAF] =	sst s5  }
0xe: {  	[smem:$0x3FB0] =	sst s6  }
0xf: {  	[smem:$0x3FB1] =	sst s7  }
0x10: {  	[smem:$0x3FB2] =	sst s8  }
0x11: {  	[smem:$0x3FB3] =	sst s9;
	s0 =	simm.s32 @!p0 $0x0  }
0x12: {  	s1 =	sld [smem:$0x3F99];
	s0 =	simm.s32 @p0 $0x1  }
0x13: {  	[smem:$0x3FB4] =	sst s0;
	s0 =	simm.s32 @!p1 $0x0  }
0x14: {  	s2 =	sld [smem:$0x3F98];
	s0 =	simm.s32 @p1 $0x1  }
0x15: {  	[smem:$0x3FB5] =	sst s0;
	s0 =	simm.s32 @!p2 $0x0  }
0x16: {  	s3 =	sld [smem:$0x3FDB];
	s0 =	simm.s32 @p2 $0x1  }
0x17: {  	s4 =	simm.s32 $0x1BF5;
	[smem:$0x3FB7] =	sst s0  }
0x18: {  	s0 =	sld [smem:$0x3F9A];
	_ =	swait.ge [sflag:s4], $0x0  }
0x19: {  	s7 =	sld [smem:$0x3F9B]  }
0x1a: {  	s8 =	sadd.s32 $0xFFFFE003, lr  }
0x1b: {  	s9 =	sadd.s32 $0xFFFFFEF7, lr;
	s5 =	simm.s32 $0xFFFFFFFF;
	p2 =	slt.u32 s8, $0xFFFFF086  }
0x1c: {  	p1 =	slt.u32 s9, $0xF7A;
	s5 =	simm.s32 @!p2 $0x0  }
0x1d: {  	s5 =	simm.s32 @p1 $0x1;
	p0 =	seq.s32 s7, s2  }
0x1e: {  	s7 =	smul.u32 @!p0 $0xF7A, s2;
	p2 =	seq.s32 @!p0 s5, $0x0  }
0x1f: {  	s9 =	smul.u32 $0xF7A, s1;
	s8 =	simm.s32 @!p0 $0x1BF5;
	p2 =	por !p2, p0  }
0x20: {  	[sflag:s8] =	ssyncset.s32 @!p0 $0xFFFFF086;
	s6 =	sadd.s32 @!p0 s3, s7;
	s7 =	simm.s32 @!p0 $0x108  }
0x21: {  	s3 =	sadd.s32 s3, s9;
	s6 =	sadd.s32 @!p0 $0x88, s6;
	s7 =	simm.s32 @p2 $0x1082  }
0x22: {  	[simem:s7], [sflag:s8] =	dma.local @!p0 [hbm:s6], $0xF7A  }
0x23: {  	s9 =	sor.u32 $0xD0000000, s2;
	s6 =	simm.s32 $0x108;
	_ =	swait.ge @!p0 [sflag:s8], $0x0  }
0x24: {  	s3 =	sadd.s32 $0x88, s3;
	s6 =	simm.s32 @!p1 $0x1082;
	[sflag:s4] =	ssyncset.s32 $0xFFFFF086  }
0x25: {  	[simem:s6], [sflag:s4] =	dma.local [hbm:s3], $0xF7A  }
0x26: {  	[smem:$0x3F9B] =	sst s1;
	(tag) =	ssettag s2;
	_ =	strace s9  }
0x27: {  	s1 =	sld [smem:$0x3FAB]  }
0x28: {  	s2 =	sld [smem:$0x3FAC]  }
0x29: {  	s4 =	sld [smem:$0x3FAE]  }
0x2a: {  	p0 =	seq.s32 s5, $0x0;
	s5 =	sld [smem:$0x3FAF]  }
0x2b: {  	s6 =	sld [smem:$0x3FB0]  }
0x2c: {  	s7 =	sld [smem:$0x3FB1]  }
0x2d: {  	s3 =	simm.s32 $0x108;
	s8 =	sld [smem:$0x3FB2]  }
0x2e: {  	s3 =	simm.s32 @!p0 $0x1082;
	s9 =	sld [smem:$0x3FB3]  }
0x2f: {  	lr =	sadd.s32 s0, s3;
	s0 =	sld [smem:$0x3FAA]  }
0x30: {  	s3 =	sld [smem:$0x3FAD]  }
0x31: {  	[smem:$0x3FB6] =	sst s10  }
0x32: {  	s10 =	sld [smem:$0x3FB4];
	_ =	sdelay $0x3  }
0x33: {  	p0 =	seq.s32 s10, $0x1;
	s10 =	sld [smem:$0x3FB6];
	_ =	sdelay $0x3  }
0x34: {  	[smem:$0x3FB6] =	sst s10  }
0x35: {  	s10 =	sld [smem:$0x3FB5];
	_ =	sdelay $0x3  }
0x36: {  	p1 =	seq.s32 s10, $0x1;
	s10 =	sld [smem:$0x3FB6];
	_ =	sdelay $0x3  }
0x37: {  	[smem:$0x3FB6] =	sst s10  }
0x38: {  	s10 =	sld [smem:$0x3FB7]  }
0x39: {  	_ = 	snop;
	(pc) =	sbr.ind lr, $3  }
0x3a: {  	_ = 	snop  }
0x3b: {  	_ = 	snop  }
0x3c: {  	p2 =	seq.s32 s10, $0x1;
	s10 =	sld [smem:$0x3FB6]  }
0x3d: {  	_ =	shalt  }
0x3e: {  	_ =	shalt  }
0x3f: {  	_ =	shalt  }
0x40: {  	_ =	shalt  }
0x41: {  	_ =	shalt  }
0x42: {  	_ =	shalt  }
0x43: {  	_ =	shalt  }
0x44: {  	_ =	shalt  }
0x45: {  	_ =	shalt  }
0x46: {  	_ =	shalt  }
0x47: {  	_ =	shalt  }
0x48: {  	_ =	shalt  }
0x49: {  	_ =	shalt  }
0x4a: {  	_ =	shalt  }
0x4b: {  	_ =	shalt  }
0x4c: {  	_ =	shalt  }
0x4d: {  	_ =	shalt  }
0x4e: {  	_ =	shalt  }
0x4f: {  	_ =	shalt  }
0x50: {  	_ =	shalt  }
0x51: {  	_ =	shalt  }
0x52: {  	_ =	shalt  }
0x53: {  	_ =	shalt  }
0x54: {  	_ =	shalt  }
0x55: {  	_ =	shalt  }
0x56: {  	_ =	shalt  }
0x57: {  	_ =	shalt  }
0x58: {  	_ =	shalt  }
0x59: {  	_ =	shalt  }
0x5a: {  	_ =	shalt  }
0x5b: {  	_ =	shalt  }
0x5c: {  	_ =	shalt  }
0x5d: {  	_ =	shalt  }
0x5e: {  	_ =	shalt  }
0x5f: {  	_ =	shalt  }
0x60: {  	_ =	shalt  }
0x61: {  	_ =	shalt  }
0x62: {  	_ =	shalt  }
0x63: {  	_ =	shalt  }
0x64: {  	_ =	shalt  }
0x65: {  	_ =	shalt  }
0x66: {  	_ =	shalt  }
0x67: {  	_ =	shalt  }
0x68: {  	_ =	shalt  }
0x69: {  	_ =	shalt  }
0x6a: {  	_ =	shalt  }
0x6b: {  	_ =	shalt  }
0x6c: {  	_ =	shalt  }
0x6d: {  	_ =	shalt  }
0x6e: {  	_ =	shalt  }
0x6f: {  	_ =	shalt  }
0x70: {  	_ =	shalt  }
0x71: {  	_ =	shalt  }
0x72: {  	_ =	shalt  }
0x73: {  	_ =	shalt  }
0x74: {  	_ =	shalt  }
0x75: {  	_ =	shalt  }
0x76: {  	_ =	shalt  }
0x77: {  	_ =	shalt  }
0x78: {  	_ =	shalt  }
0x79: {  	_ =	shalt  }
0x7a: {  	_ =	shalt  }
0x7b: {  	_ =	shalt  }
0x7c: {  	_ =	shalt  }
0x7d: {  	_ =	shalt  }
0x7e: {  	_ =	shalt  }
0x7f: {  	_ =	shalt  }
0x80: {  	_ =	shalt  }
0x81: {  	_ =	shalt  }
0x82: {  	_ =	shalt  }
0x83: {  	_ =	shalt  }
0x84: {  	_ =	shalt  }
0x85: {  	_ =	shalt  }
0x86: {  	_ =	shalt  }
0x87: {  	_ =	shalt  }
.Lfunc_end0:
.L_simem_size_0:
called_computation_lowered:
.L_overlay_start_0:
0x88: {  	s0 =	sld [smem:$0x3FD9]  }
0x89: {  	s1 =	sld [smem:$0x3FFE];
	_ =	sdelay $0x3  }
0x8a: {  	s0 =	sadd.s32 s1, s0  }
0x8b: {  	[smem:$0x3FC2] =	sst s0  }
0x8c: {  	_ = 	snop  }
0x8d: {  	s0 =	sld [smem:$0x3FC7]  }
0x8e: {  	s16 =	sld [smem:$0x3FC6];
	(tm) =	ssettm $0x1  }
0x8f: {  	s2 =	sld [smem:$0x3FFB];
	_ =	sdelay $0x3  }
0x90: {  	_ =	strace s2  }
0x91: {  	s2 =	sld [smem:$0x3FFC];
	_ =	sdelay $0x3  }
0x92: {  	_ =	strace s2  }
0x93: {  	s2 =	sld [smem:$0x3FFD];
	_ =	sdelay $0x3  }
0x94: {  	_ =	strace s2  }
0x95: {  	_ =	strace $0x8FFFFFFF  }
0x96: {  	s17 =	sld [smem:$0x3FDB];
	_ =	sdelay $0x1  }
0x97: {  	s3 =	simm.s32 $_scs_section_size  }
0x98: {  	s4 =	simm.s32 $_size__tile_overlayer_lowered;
	s5 =	simm.s32 $_tile_overlayer_lowered  }
0x99: {  	s20 =	simm.s32 $0x1BFF;
	s19 =	sshll.u32 s5, $0x1;
	s2 =	sadd.s32 s3, s17  }
0x9a: {  	s6 =	simm.s32 $0x0;
	s18 =	sshll.u32 s4, $0x1;
	s4 =	sadd.s32 s19, s2  }
0x9b: {  	[timem:s6], [sflag:s20] =	dma.local [hbm:s4], s18  }
0x9c: {  	_ =	swait.ge [sflag:s20], s18  }
0x9d: {  	s3 =	ssub.s32 $0x0, s18;
	[sflag:s20] =	ssyncset.done $0x0  }
0x9e: {  	[sflag:s20] =	ssyncadd.s32 s3;
	_ =	sdelay $0x1  }
0x9f: {  	s21 =	simm.s32 $0x1B8B  }
0xa0: {  	_ =	swait.ge [sflag:s21], $0x1  }
0xa1: {  	[sflag:s21] =	ssyncset.done $0x0  }
0xa2: {  	s23 =	simm.s32 $0x1B8E;
	s22 =	sld [smem:$0x3FFE];
	[sflag:s21] =	ssyncadd.s32 $0xFFFFFFFF  }
0xa3: {  	s24 =	simm.s32 $execute0_lowered;
	[smem:$0x3FD2] =	sst s23  }
0xa4: {  	s4 =	sshll.u32 s24, $0x1;
	_ =	strace $0x80000046;
	[dreg:$0x1] =	wrdreg $0xFFFFFFFF  }
0xa5: {  	s25 =	simm.s32 $_size_execute0_lowered;
	s2 =	sadd.s32 s2, s4;
	[dreg:$0x0] =	wrdreg $0x0  }
0xa6: {  	s4 =	sshll.u32 s25, $0x1;
	[dreg:$0x2] =	wrdreg s2  }
0xa7: {  	[dreg:$0x3] =	wrdreg s4  }
0xa8: {  	[dreg:$0x4] =	wrdreg $0xC0  }
0xa9: {  	_ =	task [dreg:s6], $0x5FFFF  }
0xaa: {  	[dreg:$0x1] =	wrdreg $0xFFFFFFFF  }
0xab: {  	[dreg:$0x0] =	wrdreg $0x60  }
0xac: {  	[dreg:$0x2] =	wrdreg s0  }
0xad: {  	[dreg:$0x3] =	wrdreg s16  }
0xae: {  	[dreg:$0x4] =	wrdreg s22  }
0xaf: {  	[dreg:$0x5] =	wrdreg $0x9  }
0xb0: {  	_ =	task.clear_ibuf [dreg:s6], $0x6FFFF;
	_ =	strace $0x90000046  }
0xb1: {  	s26 =	simm.s32 $0x9;
	_ =	strace $0x80000048  }
0xb2: {  	_ =	swait.ge [sflag:s26], $0x1  }
0xb3: {  	[sflag:s26] =	ssyncadd.s32 $0xFFFFFFFF  }
0xb4: {  	_ =	strace $0x90000048  }
0xb5: {  	_ =	sfence  }
0xb6: {  	s28 =	sld [smem:$0x0];
	_ =	sdelay $0x1  }
0xb7: {  	s29 =	srdreg.scid  }
0xb8: {  	s30 =	sshll.u32 s29, $0xD;
	s31 =	sshrl.u32 s29, $0x2  }
0xb9: {  	s1 =	sand.u32 $0x1, s29;
	s2 =	sand.u32 $0x4000, s30;
	s0 =	sadd.s32 s31, s28  }
0xba: {  	s1 =	sor.u32 s2, s1;
	s0 =	sshll.u32 s0, $0x11  }
0xbb: {  	s0 =	sor.u32 s0, s1  }
0xbc: {  	s0 =	sadd.s32 $0x8F2B, s0  }
0xbd: {  	[sflag:s0] =	ssyncadd.remote.s32 $0x1  }
0xbe: {  	_ =	sfence.sel $0xFFFF  }
0xbf: {  	[dreg:$0x0] =	wrdreg $0xFFFFFFFF;
	(pc) =	sbr.abs _section_cstart, $3  }
0xc0: {  	[dreg:$0x1] =	wrdreg $0xFFFFFFFF  }
0xc1: {  	_ =	task.clear_ibuf [dreg:s6], $0x2FFFF;
	_ =	strace $0x9FFFFFFF  }
0xc2: {  	(tm) =	ssettm $0x7FFFFFFF  }
0xc3: {  	_ =	shalt  }
tec
execute0_lowered:
.L_overlay_start_1:
0x0: {  	(tag) =	ssettag $0x1  }
0x1: {  	s0 =	stileid.u32  }
0x2: {  	s4 =	rddreg [dreg:$0x0];
	s5 =	smul.u32 $0x140, s0  }
0x3: {  	s6 =	rddreg [dreg:$0x1]  }
0x4: {  	s3 =	rddreg [dreg:$0x2];
	s2 =	simm.s32 $0x0;
	s5 =	smin.u32 s5, $0x1248  }
0x5: {  	[smem:$0x7FF] =	sst s2;
	s5 =	sshrl.u32 s5, $0x3  }
0x6: {  	s1 =	rddreg [dreg:$0x3];
	_ =	strace $0x80000047;
	s6 =	sadd.s32 s6, s5  }
0x7: {  	[tilespmem:s2], [sflag:$0x1] =	stream.linear.gather [hbm4b:s6+s2], $0x140, $0x38;
	[tilespmem:$0x380] =	vst v63  }
0x8: {  	s29 =	simm.s32 $0x180;
	s30 =	simm.s32 $0x1  }
0x9: {  	[tilespmem:s29], [sflag:$0x1] =	stream.linear.gather [hbm4b:s4+s2], $0x80, $0x38;
	[tilespmem:$0x380] =	vst v63  }
0xa: {  	_ =	swait.ge [sflag:s30], $0x140  }
0xb: {  	[sflag:s30] =	ssyncset.done $0x0  }
0xc: {  	[sflag:s30] =	ssyncadd.s32 $0xFFFFFEC0  }
0xd: {  	_ =	swait.ge [sflag:s30], $0x80  }
0xe: {  	[sflag:s30] =	ssyncset.done $0x0  }
0xf: {  	[sflag:s30] =	ssyncadd.s32 $0xFFFFFF80  }
0x10: {  	v0 =	vld [tilespmem:$0x0];
	_ =	sdelay $0x5  }
0x11: {  	v1 =	vld [tilespmem:$0x10];
	_ =	sdelay $0x1  }
0x12: {  	v0 =	vld.idx.msk [tilespmem:v0+s29+$0x0], $0xffff;
	_ =	sdelay $0x3  }
0x13: {  	v2 =	vld [tilespmem:$0x20]  }
0x14: {  	[tilespmem:$0x200] =	vst v0  }
0x15: {  	v0 =	vld.idx.msk [tilespmem:v1+s29+$0x0], $0xffff;
	_ =	sdelay $0x3  }
0x16: {  	v47 =	vld [tilespmem:$0x30]  }
0x17: {  	[tilespmem:$0x210] =	vst v0  }
0x18: {  	v0 =	vld.idx.msk [tilespmem:v2+s29+$0x0], $0xffff;
	_ =	sdelay $0x3  }
0x19: {  	v48 =	vld [tilespmem:$0x40]  }
0x1a: {  	[tilespmem:$0x220] =	vst v0  }
0x1b: {  	v0 =	vld.idx.msk [tilespmem:v47+s29+$0x0], $0xffff;
	_ =	sdelay $0x3  }
0x1c: {  	v49 =	vld [tilespmem:$0x50]  }
0x1d: {  	[tilespmem:$0x230] =	vst v0  }
0x1e: {  	v0 =	vld.idx.msk [tilespmem:v48+s29+$0x0], $0xffff;
	_ =	sdelay $0x3  }
0x1f: {  	v50 =	vld [tilespmem:$0x60]  }
0x20: {  	[tilespmem:$0x240] =	vst v0  }
0x21: {  	v0 =	vld.idx.msk [tilespmem:v49+s29+$0x0], $0xffff;
	_ =	sdelay $0x3  }
0x22: {  	v51 =	vld [tilespmem:$0x70]  }
0x23: {  	[tilespmem:$0x250] =	vst v0  }
0x24: {  	v0 =	vld.idx.msk [tilespmem:v50+s29+$0x0], $0xffff;
	_ =	sdelay $0x3  }
0x25: {  	v52 =	vld [tilespmem:$0x80]  }
0x26: {  	[tilespmem:$0x260] =	vst v0  }
0x27: {  	v0 =	vld.idx.msk [tilespmem:v51+s29+$0x0], $0xffff;
	_ =	sdelay $0x3  }
0x28: {  	v53 =	vld [tilespmem:$0x90]  }
0x29: {  	[tilespmem:$0x270] =	vst v0  }
0x2a: {  	v0 =	vld.idx.msk [tilespmem:v52+s29+$0x0], $0xffff;
	_ =	sdelay $0x3  }
0x2b: {  	v54 =	vld [tilespmem:$0xA0]  }
0x2c: {  	[tilespmem:$0x280] =	vst v0  }
0x2d: {  	v0 =	vld.idx.msk [tilespmem:v53+s29+$0x0], $0xffff;
	_ =	sdelay $0x3  }
0x2e: {  	v55 =	vld [tilespmem:$0xB0]  }
0x2f: {  	[tilespmem:$0x290] =	vst v0  }
0x30: {  	v0 =	vld.idx.msk [tilespmem:v54+s29+$0x0], $0xffff;
	_ =	sdelay $0x3  }
0x31: {  	v56 =	vld [tilespmem:$0xC0]  }
0x32: {  	[tilespmem:$0x2A0] =	vst v0  }
0x33: {  	v0 =	vld.idx.msk [tilespmem:v55+s29+$0x0], $0xffff;
	_ =	sdelay $0x3  }
0x34: {  	v57 =	vld [tilespmem:$0xD0]  }
0x35: {  	[tilespmem:$0x2B0] =	vst v0  }
0x36: {  	v0 =	vld.idx.msk [tilespmem:v56+s29+$0x0], $0xffff;
	_ =	sdelay $0x3  }
0x37: {  	v58 =	vld [tilespmem:$0xE0]  }
0x38: {  	[tilespmem:$0x2C0] =	vst v0  }
0x39: {  	v0 =	vld.idx.msk [tilespmem:v57+s29+$0x0], $0xffff;
	_ =	sdelay $0x3  }
0x3a: {  	v59 =	vld [tilespmem:$0xF0]  }
0x3b: {  	[tilespmem:$0x2D0] =	vst v0  }
0x3c: {  	v0 =	vld.idx.msk [tilespmem:v58+s29+$0x0], $0xffff;
	_ =	sdelay $0x3  }
0x3d: {  	v60 =	vld [tilespmem:$0x100]  }
0x3e: {  	[tilespmem:$0x2E0] =	vst v0  }
0x3f: {  	v0 =	vld.idx.msk [tilespmem:v59+s29+$0x0], $0xffff;
	_ =	sdelay $0x3  }
0x40: {  	v61 =	vld [tilespmem:$0x110]  }
0x41: {  	[tilespmem:$0x2F0] =	vst v0  }
0x42: {  	v0 =	vld.idx.msk [tilespmem:v60+s29+$0x0], $0xffff;
	_ =	sdelay $0x3  }
0x43: {  	v62 =	vld [tilespmem:$0x120]  }
0x44: {  	[tilespmem:$0x300] =	vst v0  }
0x45: {  	v0 =	vld.idx.msk [tilespmem:v61+s29+$0x0], $0xffff;
	_ =	sdelay $0x3  }
0x46: {  	v63 =	vld [tilespmem:$0x130]  }
0x47: {  	[tilespmem:$0x310] =	vst v0  }
0x48: {  	v0 =	vld.idx.msk [tilespmem:v62+s29+$0x0], $0xffff;
	_ =	sdelay $0x4  }
0x49: {  	[tilespmem:$0x320] =	vst v0  }
0x4a: {  	v0 =	vld.idx.msk [tilespmem:v63+s29+$0x0], $0xffff;
	_ =	sdelay $0x3  }
0x4b: {  	s3 =	sadd.s32 s5, s3  }
0x4c: {  	s31 =	simm.s32 $0x200;
	s3 =	sadd.s32 $0x1000, s3;
	[tilespmem:$0x330] =	vst v0  }
0x4d: {  	[hbm4b:s3+s2] =	stream.linear.scatter [tilespmem:s31], [sflag:$0x1], $0x140, $0x38;
	[tilespmem:$0x380] =	vst v63  }
0x4e: {  	_ =	swait.ge [sflag:s30], $0x140  }
0x4f: {  	[sflag:s30] =	ssyncset.done $0x0  }
0x50: {  	[sflag:s30] =	ssyncadd.s32 $0xFFFFFEC0  }
0x51: {  	_ =	sfence.sel $0x180000  }
0x52: {  	[bflag:$0x0] =	sbarrier.arrive $0xFFFF  }
0x53: {  	p0 =	sne.s32 s0, $0x0;
	_ =	strace $0x90000047  }
0x54: {  	s0 =	sadd.s32 @!p0 $0x100000, s1;
	[bflag:$0x2] =	sbarrier.arrive $0xFFFF  }
0x55: {  	[sflag:s0] =	ssyncadd.tile.s32 @!p0 $0x1;
	_ =	shalt  }
.Lfunc_end2:
_tile_overlayer_lowered:
.L_overlay_start_2:
0x56: {  	(tag) =	ssettag $0x2  }
0x57: {  	s0 =	rddreg [dreg:$0x0];
	s2 =	stileid.u32  }
0x58: {  	s1 =	rddreg [dreg:$0x1];
	p0 =	sne.s32 s2, $0x0  }
0x59: {  	s3 =	rddreg [dreg:$0x2];
	[bflag:$0x3] =	sbarrier.arrive $0xFFFF;
	s2 =	simm.s32 @!p0 $0x1C02  }
0x5a: {  	[timem:s3], [sflag:s2] =	dma.local @!p0 [hbm:s0], s1  }
0x5b: {  	s0 =	simm.s32 @!p0 $0x2  }
0x5c: {  	_ =	swait.ge @!p0 [sflag:s0], s1  }
0x5d: {  	s1 =	ssub.s32 @!p0 $0x0, s1;
	[sflag:s0] =	ssyncset.done @!p0 $0x0  }
0x5e: {  	[sflag:s0] =	ssyncadd.s32 @!p0 s1  }
0x5f: {  	[bflag:$0x3] =	sbarrier.arrive $0xFFFF  }
0x60: {  	_ =	shalt  }

</sc_bundles>
